<compile_context>
chip_gen: v7x
topology: tpu7x:2x2x1
jax: 0.10.2.dev20260603
libtpu: 0.0.44.dev20260713+nightly
codegen_flags: <defaults>
</compile_context>

<pallas_src>
import functools

import jax
import jax.numpy as jnp
from jax import lax
from jax.experimental import pallas as pl
from jax.experimental.pallas import tpu as pltpu
from jax.experimental.pallas import tpu_sc as plsc

N_CODES = 8192
DIM = 32
N_TOKENS = 65536
_BETA = 0.25

_TB = 256

_SC_CORES = 2
_SC_SUBCORES = 16
_NW = _SC_CORES * _SC_SUBCORES
_B_PER_W = N_TOKENS // _NW


def _dist_body(z_ref, et2_ref, idx_ref, msum_ref, esq_ref, ids_ref):
    @pl.when(pl.program_id(0) == 0)
    def _():
        eh = et2_ref[...] * 0.5
        esq_ref[...] = jnp.sum(eh * eh, axis=0, keepdims=True)
        ids_ref[...] = lax.broadcasted_iota(
            jnp.int32, ids_ref.shape, 1).astype(jnp.float32)

    z = z_ref[...]
    zsq = jnp.sum(z * z, axis=1, keepdims=True)
    m2 = lax.dot_general(z, et2_ref[...], (((1,), (0,)), ((), ())),
                         preferred_element_type=jnp.float32)
    d = (zsq + esq_ref[...]) - m2
    half = N_CODES // 2
    d_lo, d_hi = d[:, :half], d[:, half:]
    ids = ids_ref[...]
    v_lo = jnp.min(d_lo, axis=1, keepdims=True)
    v_hi = jnp.min(d_hi, axis=1, keepdims=True)
    v_lo_bf = v_lo.astype(jnp.bfloat16).astype(jnp.float32)
    take_hi = v_hi < v_lo_bf
    d_sel = jnp.where(take_hi, d_hi, d_lo)
    d_pick = jnp.where(take_hi, v_hi, v_lo)
    i_sel = jnp.min(jnp.where(d_sel == d_pick, ids, float(half)), axis=1,
                    keepdims=True)
    idx_f = i_sel + jnp.where(take_hi, float(half), 0.0)
    idx_ref[...] = idx_f.astype(jnp.int32)

    partial = jnp.sum(d_pick, axis=(0, 1), keepdims=True)

    @pl.when(pl.program_id(0) == 0)
    def _():
        msum_ref[...] = partial

    @pl.when(pl.program_id(0) > 0)
    def _():
        msum_ref[...] += partial


_dist_call = pl.pallas_call(
    _dist_body,
    grid=(N_TOKENS // _TB,),
    in_specs=[
        pl.BlockSpec((_TB, DIM), lambda i: (i, 0)),
        pl.BlockSpec((DIM, N_CODES), lambda i: (0, 0)),
    ],
    out_specs=[
        pl.BlockSpec((_TB, 1), lambda i: (i, 0)),
        pl.BlockSpec((1, 1), lambda i: (0, 0)),
    ],
    out_shape=[
        jax.ShapeDtypeStruct((N_TOKENS, 1), jnp.int32),
        jax.ShapeDtypeStruct((1, 1), jnp.float32),
    ],
    scratch_shapes=[
        pltpu.VMEM((1, N_CODES), jnp.float32),
        pltpu.VMEM((_TB, N_CODES // 2), jnp.float32),
    ],
)


_PAD = 128
_CHUNK = 512
_N_CHUNKS = _B_PER_W // _CHUNK


@functools.cache
def _get_sc_gather():
    mesh = plsc.VectorSubcoreMesh(core_axis_name="c", subcore_axis_name="s")

    @functools.partial(
        pl.kernel,
        mesh=mesh,
        out_type=jax.ShapeDtypeStruct((N_TOKENS, _PAD), jnp.float32),
        scratch_types=[
            pltpu.VMEM((_B_PER_W,), jnp.int32),
            pltpu.VMEM((_CHUNK, _PAD), jnp.float32),
            pltpu.SemaphoreType.DMA,
        ],
    )
    def _sc_gather(table_hbm, idx_hbm, out_hbm, idx_v, rows_v, sem):
        wid = lax.axis_index("s") * _SC_CORES + lax.axis_index("c")
        base = wid * _B_PER_W
        pltpu.sync_copy(idx_hbm.at[pl.ds(base, _B_PER_W)], idx_v)
        for c in range(_N_CHUNKS):
            pltpu.async_copy(
                table_hbm.at[idx_v.at[pl.ds(c * _CHUNK, _CHUNK)]], rows_v, sem
            ).wait()
            pltpu.sync_copy(rows_v, out_hbm.at[pl.ds(base + c * _CHUNK, _CHUNK)])

    return _sc_gather


def kernel(z, embedding_weight):
    et2 = embedding_weight.T * 2.0
    idx2, msum = _dist_call(z, et2)
    table = jnp.pad(embedding_weight, ((0, 0), (0, _PAD - DIM)))
    z_q_pad = _get_sc_gather()(table, idx2.reshape(N_TOKENS))
    z_q = z_q_pad[:, :DIM]
    loss = msum[0, 0] * ((1.0 + _BETA) / (N_TOKENS * DIM))
    return (z_q, loss, idx2)

# --- scband reference (transcript-rebuilt; emitter-appended) ---
"""Pipeline reference for scband-vector-quantizer-reset-38242388804088 (READ-ONLY COPY).

The authoritative reference and input builder live on the scoring server;
editing this copy changes nothing except your own understanding.
"""

import jax, jax.numpy as jnp
import numpy as np

N_E = 8192
E_DIM = 32
BETA = 0.25
N_TOK = 65536


def setup_inputs(seed: int = 0) -> dict:
    key = jax.random.key(seed)
    k1, k2 = jax.random.split(key)
    z = jax.random.normal(k1, (N_TOK, E_DIM), dtype=jnp.float32)
    embedding_weight = jax.random.uniform(
        k2, (N_E, E_DIM), dtype=jnp.float32, minval=-1.0 / N_E, maxval=1.0 / N_E
    )
    return {"z": z, "embedding_weight": embedding_weight}


def reference(z, embedding_weight):
    # z: (B, e_dim) -> unsqueeze(1) -> (B,1,e_dim) -> permute(0,2,1) -> (B,e_dim,1)
    zp = jnp.transpose(z[:, None, :], (0, 2, 1))
    z_flattened = zp.reshape(-1, E_DIM)
    d = (
        jnp.sum(z_flattened ** 2, axis=1, keepdims=True)
        + jnp.sum(embedding_weight ** 2, axis=1)
        - 2.0 * jnp.matmul(z_flattened, embedding_weight.T)
    )
    min_encoding_indices = jnp.argmin(d, axis=1)[:, None]
    min_encodings = jax.nn.one_hot(min_encoding_indices[:, 0], N_E, dtype=zp.dtype)
    z_q = jnp.matmul(min_encodings, embedding_weight).reshape(zp.shape)
    loss = jnp.mean((jax.lax.stop_gradient(z_q) - zp) ** 2) + BETA * jnp.mean(
        (z_q - jax.lax.stop_gradient(zp)) ** 2
    )
    z_q_st = zp + jax.lax.stop_gradient(z_q - zp)
    z_q_out = jnp.squeeze(z_q_st, axis=-1)
    return (z_q_out, loss, min_encoding_indices)

if __name__ == "__main__":
    import jax
    _d = setup_inputs()
    print(jax.jit(kernel)(*tuple(_d.values())))

</pallas_src>

<mosaic_0001>
#map = affine_map<(d0, d1) -> (0, 0)>
#map1 = affine_map<(d0, d1) -> (0)>
module attributes {stable_mosaic.version = 14 : i64} {
  func.func @_sc_gather(%arg0: i32, %arg1: i32, %arg2: memref<8192x128xf32, #tpu.memory_space<hbm>>, %arg3: memref<65536xi32, #tpu.memory_space<hbm>>, %arg4: memref<65536x128xf32, #tpu.memory_space<hbm>>, %arg5: memref<2048xi32, #tpu.memory_space<vmem>>, %arg6: memref<512x128xf32, #tpu.memory_space<vmem>>, %arg7: memref<!tpu.dma_semaphore, #tpu.memory_space<semaphore_mem>>) attributes {dimension_semantics = [#tpu.dimension_semantics<core_parallel>, #tpu.dimension_semantics<subcore_parallel>], iteration_bounds = array<i64: 2, 16>, scalar_prefetch = 0 : i64, scratch_operands = 3 : i64, tpu.core_type = #tpu.core_type<sc_vector_subcore>, window_params = [{transform_indices = #map}, {transform_indices = #map1}, {transform_indices = #map}]} {
    %mul3A = arith.constant 2 : i32
    %mul3A_0 = arith.muli %arg1, %mul3A : i32
    %add3A = arith.addi %mul3A_0, %arg0 : i32
    %mul3A_1 = arith.constant 2048 : i32
    %mul3A_2 = arith.muli %add3A, %mul3A_1 : i32
    "tpu.region"() ({
      %run_scoped3A = tpu.sem_alloc : memref<!tpu.dma_semaphore, #tpu.memory_space<semaphore_mem>>
      %dma_start3A_49 = tpu.memref_slice %arg3[%mul3A_2] : memref<65536xi32, #tpu.memory_space<hbm>> -> memref<2048xi32, #tpu.memory_space<hbm>>
      %dma_start3A_50 = tpu.memref_slice %arg3[%mul3A_2] : memref<65536xi32, #tpu.memory_space<hbm>> -> memref<2048xi32, #tpu.memory_space<hbm>>
      tpu.enqueue_dma source(%dma_start3A_50 : memref<2048xi32, #tpu.memory_space<hbm>>) target(%arg5 : memref<2048xi32, #tpu.memory_space<vmem>>) target_semaphore(%run_scoped3A : memref<!tpu.dma_semaphore, #tpu.memory_space<semaphore_mem>>)
      %dma_wait3A_51 = tpu.memref_slice %arg3[%mul3A_2] : memref<65536xi32, #tpu.memory_space<hbm>> -> memref<2048xi32, #tpu.memory_space<hbm>>
      %dma_wait3A_52 = tpu.memref_slice %arg3[%mul3A_2] : memref<65536xi32, #tpu.memory_space<hbm>> -> memref<2048xi32, #tpu.memory_space<hbm>>
      tpu.wait_dma2 semaphore(%run_scoped3A : memref<!tpu.dma_semaphore, #tpu.memory_space<semaphore_mem>>) src(%dma_wait3A_52 : memref<2048xi32, #tpu.memory_space<hbm>>) dst(%arg5 : memref<2048xi32, #tpu.memory_space<vmem>>)
      tpu.yield
    }) : () -> ()
    %dma_start3A = arith.constant 0 : i32
    %dma_start3A_3 = tpu.memref_slice %arg5[%dma_start3A] : memref<2048xi32, #tpu.memory_space<vmem>> -> memref<512xi32, #tpu.memory_space<vmem>>
    %dma_start3A_4 = arith.constant 0 : i32
    %dma_start3A_5 = arith.constant 0 : i32
    %dma_start3A_6 = tpu.memref_slice %arg2[%dma_start3A_4, %dma_start3A_5] : memref<8192x128xf32, #tpu.memory_space<hbm>> -> memref<8192x128xf32, #tpu.memory_space<hbm>>
    tpu.enqueue_indirect_dma source(%dma_start3A_6 : memref<8192x128xf32, #tpu.memory_space<hbm>>) target(%arg6 : memref<512x128xf32, #tpu.memory_space<vmem>>) offsets(%dma_start3A_3 : memref<512xi32, #tpu.memory_space<vmem>>) semaphore(%arg7 : memref<!tpu.dma_semaphore, #tpu.memory_space<semaphore_mem>>)
    %dma_wait3A = arith.constant 0 : i32
    %dma_wait3A_7 = tpu.memref_slice %arg5[%dma_wait3A] : memref<2048xi32, #tpu.memory_space<vmem>> -> memref<512xi32, #tpu.memory_space<vmem>>
    %dma_wait3A_8 = arith.constant 0 : i32
    %dma_wait3A_9 = arith.constant 0 : i32
    %dma_wait3A_10 = tpu.memref_slice %arg2[%dma_wait3A_8, %dma_wait3A_9] : memref<8192x128xf32, #tpu.memory_space<hbm>> -> memref<8192x128xf32, #tpu.memory_space<hbm>>
    tpu.wait_indirect_dma semaphore(%arg7 : memref<!tpu.dma_semaphore, #tpu.memory_space<semaphore_mem>>) src(%dma_wait3A_10 : memref<8192x128xf32, #tpu.memory_space<hbm>>) dst(%arg6 : memref<512x128xf32, #tpu.memory_space<vmem>>)
    %add3A_11 = arith.constant 0 : i32
    %add3A_12 = arith.addi %mul3A_2, %add3A_11 : i32
    "tpu.region"() ({
      %run_scoped3A = tpu.sem_alloc : memref<!tpu.dma_semaphore, #tpu.memory_space<semaphore_mem>>
      %dma_start3A_49 = arith.constant 0 : i32
      %dma_start3A_50 = tpu.memref_slice %arg4[%add3A_12, %dma_start3A_49] : memref<65536x128xf32, #tpu.memory_space<hbm>> -> memref<512x128xf32, #tpu.memory_space<hbm>>
      %dma_start3A_51 = arith.constant 0 : i32
      %dma_start3A_52 = tpu.memref_slice %arg4[%add3A_12, %dma_start3A_51] : memref<65536x128xf32, #tpu.memory_space<hbm>> -> memref<512x128xf32, #tpu.memory_space<hbm>>
      tpu.enqueue_dma source(%arg6 : memref<512x128xf32, #tpu.memory_space<vmem>>) target(%dma_start3A_52 : memref<512x128xf32, #tpu.memory_space<hbm>>) target_semaphore(%run_scoped3A : memref<!tpu.dma_semaphore, #tpu.memory_space<semaphore_mem>>)
      %dma_wait3A_53 = arith.constant 0 : i32
      %dma_wait3A_54 = tpu.memref_slice %arg4[%add3A_12, %dma_wait3A_53] : memref<65536x128xf32, #tpu.memory_space<hbm>> -> memref<512x128xf32, #tpu.memory_space<hbm>>
      %dma_wait3A_55 = arith.constant 0 : i32
      %dma_wait3A_56 = tpu.memref_slice %arg4[%add3A_12, %dma_wait3A_55] : memref<65536x128xf32, #tpu.memory_space<hbm>> -> memref<512x128xf32, #tpu.memory_space<hbm>>
      tpu.wait_dma2 semaphore(%run_scoped3A : memref<!tpu.dma_semaphore, #tpu.memory_space<semaphore_mem>>) src(%arg6 : memref<512x128xf32, #tpu.memory_space<vmem>>) dst(%dma_wait3A_56 : memref<512x128xf32, #tpu.memory_space<hbm>>)
      tpu.yield
    }) : () -> ()
    %dma_start3A_13 = arith.constant 512 : i32
    %dma_start3A_14 = tpu.memref_slice %arg5[%dma_start3A_13] : memref<2048xi32, #tpu.memory_space<vmem>> -> memref<512xi32, #tpu.memory_space<vmem>>
    %dma_start3A_15 = arith.constant 0 : i32
    %dma_start3A_16 = arith.constant 0 : i32
    %dma_start3A_17 = tpu.memref_slice %arg2[%dma_start3A_15, %dma_start3A_16] : memref<8192x128xf32, #tpu.memory_space<hbm>> -> memref<8192x128xf32, #tpu.memory_space<hbm>>
    tpu.enqueue_indirect_dma source(%dma_start3A_17 : memref<8192x128xf32, #tpu.memory_space<hbm>>) target(%arg6 : memref<512x128xf32, #tpu.memory_space<vmem>>) offsets(%dma_start3A_14 : memref<512xi32, #tpu.memory_space<vmem>>) semaphore(%arg7 : memref<!tpu.dma_semaphore, #tpu.memory_space<semaphore_mem>>)
    %dma_wait3A_18 = arith.constant 512 : i32
    %dma_wait3A_19 = tpu.memref_slice %arg5[%dma_wait3A_18] : memref<2048xi32, #tpu.memory_space<vmem>> -> memref<512xi32, #tpu.memory_space<vmem>>
    %dma_wait3A_20 = arith.constant 0 : i32
    %dma_wait3A_21 = arith.constant 0 : i32
    %dma_wait3A_22 = tpu.memref_slice %arg2[%dma_wait3A_20, %dma_wait3A_21] : memref<8192x128xf32, #tpu.memory_space<hbm>> -> memref<8192x128xf32, #tpu.memory_space<hbm>>
    tpu.wait_indirect_dma semaphore(%arg7 : memref<!tpu.dma_semaphore, #tpu.memory_space<semaphore_mem>>) src(%dma_wait3A_22 : memref<8192x128xf32, #tpu.memory_space<hbm>>) dst(%arg6 : memref<512x128xf32, #tpu.memory_space<vmem>>)
    %add3A_23 = arith.constant 512 : i32
    %add3A_24 = arith.addi %mul3A_2, %add3A_23 : i32
    "tpu.region"() ({
      %run_scoped3A = tpu.sem_alloc : memref<!tpu.dma_semaphore, #tpu.memory_space<semaphore_mem>>
      %dma_start3A_49 = arith.constant 0 : i32
      %dma_start3A_50 = tpu.memref_slice %arg4[%add3A_24, %dma_start3A_49] : memref<65536x128xf32, #tpu.memory_space<hbm>> -> memref<512x128xf32, #tpu.memory_space<hbm>>
      %dma_start3A_51 = arith.constant 0 : i32
      %dma_start3A_52 = tpu.memref_slice %arg4[%add3A_24, %dma_start3A_51] : memref<65536x128xf32, #tpu.memory_space<hbm>> -> memref<512x128xf32, #tpu.memory_space<hbm>>
      tpu.enqueue_dma source(%arg6 : memref<512x128xf32, #tpu.memory_space<vmem>>) target(%dma_start3A_52 : memref<512x128xf32, #tpu.memory_space<hbm>>) target_semaphore(%run_scoped3A : memref<!tpu.dma_semaphore, #tpu.memory_space<semaphore_mem>>)
      %dma_wait3A_53 = arith.constant 0 : i32
      %dma_wait3A_54 = tpu.memref_slice %arg4[%add3A_24, %dma_wait3A_53] : memref<65536x128xf32, #tpu.memory_space<hbm>> -> memref<512x128xf32, #tpu.memory_space<hbm>>
      %dma_wait3A_55 = arith.constant 0 : i32
      %dma_wait3A_56 = tpu.memref_slice %arg4[%add3A_24, %dma_wait3A_55] : memref<65536x128xf32, #tpu.memory_space<hbm>> -> memref<512x128xf32, #tpu.memory_space<hbm>>
      tpu.wait_dma2 semaphore(%run_scoped3A : memref<!tpu.dma_semaphore, #tpu.memory_space<semaphore_mem>>) src(%arg6 : memref<512x128xf32, #tpu.memory_space<vmem>>) dst(%dma_wait3A_56 : memref<512x128xf32, #tpu.memory_space<hbm>>)
      tpu.yield
    }) : () -> ()
    %dma_start3A_25 = arith.constant 1024 : i32
    %dma_start3A_26 = tpu.memref_slice %arg5[%dma_start3A_25] : memref<2048xi32, #tpu.memory_space<vmem>> -> memref<512xi32, #tpu.memory_space<vmem>>
    %dma_start3A_27 = arith.constant 0 : i32
    %dma_start3A_28 = arith.constant 0 : i32
    %dma_start3A_29 = tpu.memref_slice %arg2[%dma_start3A_27, %dma_start3A_28] : memref<8192x128xf32, #tpu.memory_space<hbm>> -> memref<8192x128xf32, #tpu.memory_space<hbm>>
    tpu.enqueue_indirect_dma source(%dma_start3A_29 : memref<8192x128xf32, #tpu.memory_space<hbm>>) target(%arg6 : memref<512x128xf32, #tpu.memory_space<vmem>>) offsets(%dma_start3A_26 : memref<512xi32, #tpu.memory_space<vmem>>) semaphore(%arg7 : memref<!tpu.dma_semaphore, #tpu.memory_space<semaphore_mem>>)
    %dma_wait3A_30 = arith.constant 1024 : i32
    %dma_wait3A_31 = tpu.memref_slice %arg5[%dma_wait3A_30] : memref<2048xi32, #tpu.memory_space<vmem>> -> memref<512xi32, #tpu.memory_space<vmem>>
    %dma_wait3A_32 = arith.constant 0 : i32
    %dma_wait3A_33 = arith.constant 0 : i32
    %dma_wait3A_34 = tpu.memref_slice %arg2[%dma_wait3A_32, %dma_wait3A_33] : memref<8192x128xf32, #tpu.memory_space<hbm>> -> memref<8192x128xf32, #tpu.memory_space<hbm>>
    tpu.wait_indirect_dma semaphore(%arg7 : memref<!tpu.dma_semaphore, #tpu.memory_space<semaphore_mem>>) src(%dma_wait3A_34 : memref<8192x128xf32, #tpu.memory_space<hbm>>) dst(%arg6 : memref<512x128xf32, #tpu.memory_space<vmem>>)
    %add3A_35 = arith.constant 1024 : i32
    %add3A_36 = arith.addi %mul3A_2, %add3A_35 : i32
    "tpu.region"() ({
      %run_scoped3A = tpu.sem_alloc : memref<!tpu.dma_semaphore, #tpu.memory_space<semaphore_mem>>
      %dma_start3A_49 = arith.constant 0 : i32
      %dma_start3A_50 = tpu.memref_slice %arg4[%add3A_36, %dma_start3A_49] : memref<65536x128xf32, #tpu.memory_space<hbm>> -> memref<512x128xf32, #tpu.memory_space<hbm>>
      %dma_start3A_51 = arith.constant 0 : i32
      %dma_start3A_52 = tpu.memref_slice %arg4[%add3A_36, %dma_start3A_51] : memref<65536x128xf32, #tpu.memory_space<hbm>> -> memref<512x128xf32, #tpu.memory_space<hbm>>
      tpu.enqueue_dma source(%arg6 : memref<512x128xf32, #tpu.memory_space<vmem>>) target(%dma_start3A_52 : memref<512x128xf32, #tpu.memory_space<hbm>>) target_semaphore(%run_scoped3A : memref<!tpu.dma_semaphore, #tpu.memory_space<semaphore_mem>>)
      %dma_wait3A_53 = arith.constant 0 : i32
      %dma_wait3A_54 = tpu.memref_slice %arg4[%add3A_36, %dma_wait3A_53] : memref<65536x128xf32, #tpu.memory_space<hbm>> -> memref<512x128xf32, #tpu.memory_space<hbm>>
      %dma_wait3A_55 = arith.constant 0 : i32
      %dma_wait3A_56 = tpu.memref_slice %arg4[%add3A_36, %dma_wait3A_55] : memref<65536x128xf32, #tpu.memory_space<hbm>> -> memref<512x128xf32, #tpu.memory_space<hbm>>
      tpu.wait_dma2 semaphore(%run_scoped3A : memref<!tpu.dma_semaphore, #tpu.memory_space<semaphore_mem>>) src(%arg6 : memref<512x128xf32, #tpu.memory_space<vmem>>) dst(%dma_wait3A_56 : memref<512x128xf32, #tpu.memory_space<hbm>>)
      tpu.yield
    }) : () -> ()
    %dma_start3A_37 = arith.constant 1536 : i32
    %dma_start3A_38 = tpu.memref_slice %arg5[%dma_start3A_37] : memref<2048xi32, #tpu.memory_space<vmem>> -> memref<512xi32, #tpu.memory_space<vmem>>
    %dma_start3A_39 = arith.constant 0 : i32
    %dma_start3A_40 = arith.constant 0 : i32
    %dma_start3A_41 = tpu.memref_slice %arg2[%dma_start3A_39, %dma_start3A_40] : memref<8192x128xf32, #tpu.memory_space<hbm>> -> memref<8192x128xf32, #tpu.memory_space<hbm>>
    tpu.enqueue_indirect_dma source(%dma_start3A_41 : memref<8192x128xf32, #tpu.memory_space<hbm>>) target(%arg6 : memref<512x128xf32, #tpu.memory_space<vmem>>) offsets(%dma_start3A_38 : memref<512xi32, #tpu.memory_space<vmem>>) semaphore(%arg7 : memref<!tpu.dma_semaphore, #tpu.memory_space<semaphore_mem>>)
    %dma_wait3A_42 = arith.constant 1536 : i32
    %dma_wait3A_43 = tpu.memref_slice %arg5[%dma_wait3A_42] : memref<2048xi32, #tpu.memory_space<vmem>> -> memref<512xi32, #tpu.memory_space<vmem>>
    %dma_wait3A_44 = arith.constant 0 : i32
    %dma_wait3A_45 = arith.constant 0 : i32
    %dma_wait3A_46 = tpu.memref_slice %arg2[%dma_wait3A_44, %dma_wait3A_45] : memref<8192x128xf32, #tpu.memory_space<hbm>> -> memref<8192x128xf32, #tpu.memory_space<hbm>>
    tpu.wait_indirect_dma semaphore(%arg7 : memref<!tpu.dma_semaphore, #tpu.memory_space<semaphore_mem>>) src(%dma_wait3A_46 : memref<8192x128xf32, #tpu.memory_space<hbm>>) dst(%arg6 : memref<512x128xf32, #tpu.memory_space<vmem>>)
    %add3A_47 = arith.constant 1536 : i32
    %add3A_48 = arith.addi %mul3A_2, %add3A_47 : i32
    "tpu.region"() ({
      %run_scoped3A = tpu.sem_alloc : memref<!tpu.dma_semaphore, #tpu.memory_space<semaphore_mem>>
      %dma_start3A_49 = arith.constant 0 : i32
      %dma_start3A_50 = tpu.memref_slice %arg4[%add3A_48, %dma_start3A_49] : memref<65536x128xf32, #tpu.memory_space<hbm>> -> memref<512x128xf32, #tpu.memory_space<hbm>>
      %dma_start3A_51 = arith.constant 0 : i32
      %dma_start3A_52 = tpu.memref_slice %arg4[%add3A_48, %dma_start3A_51] : memref<65536x128xf32, #tpu.memory_space<hbm>> -> memref<512x128xf32, #tpu.memory_space<hbm>>
      tpu.enqueue_dma source(%arg6 : memref<512x128xf32, #tpu.memory_space<vmem>>) target(%dma_start3A_52 : memref<512x128xf32, #tpu.memory_space<hbm>>) target_semaphore(%run_scoped3A : memref<!tpu.dma_semaphore, #tpu.memory_space<semaphore_mem>>)
      %dma_wait3A_53 = arith.constant 0 : i32
      %dma_wait3A_54 = tpu.memref_slice %arg4[%add3A_48, %dma_wait3A_53] : memref<65536x128xf32, #tpu.memory_space<hbm>> -> memref<512x128xf32, #tpu.memory_space<hbm>>
      %dma_wait3A_55 = arith.constant 0 : i32
      %dma_wait3A_56 = tpu.memref_slice %arg4[%add3A_48, %dma_wait3A_55] : memref<65536x128xf32, #tpu.memory_space<hbm>> -> memref<512x128xf32, #tpu.memory_space<hbm>>
      tpu.wait_dma2 semaphore(%run_scoped3A : memref<!tpu.dma_semaphore, #tpu.memory_space<semaphore_mem>>) src(%arg6 : memref<512x128xf32, #tpu.memory_space<vmem>>) dst(%dma_wait3A_56 : memref<512x128xf32, #tpu.memory_space<hbm>>)
      tpu.yield
    }) : () -> ()
    return
  }
}

module attributes {stable_mosaic.version = 14 : i64} {
  func.func @_dist_body(%arg0: i32, %arg1: memref<256x32xf32, #tpu.memory_space<vmem>>, %arg2: memref<32x8192xf32, #tpu.memory_space<vmem>>, %arg3: memref<256x1xi32, #tpu.memory_space<vmem>>, %arg4: memref<1x1xf32, #tpu.memory_space<vmem>>, %arg5: memref<1x8192xf32, #tpu.memory_space<vmem>>, %arg6: memref<256x4096xf32, #tpu.memory_space<vmem>>) attributes {dimension_semantics = [#tpu.dimension_semantics<arbitrary>], iteration_bounds = array<i64: 256>, scalar_prefetch = 0 : i64, scratch_operands = 2 : i64, tpu.core_type = #tpu.core_type<tc>, window_params = [{transform_indices = @transform_0, window_bounds = array<i64: 256, 32>}, {pipeline_mode = #tpu.pipeline_mode<synchronous>, transform_indices = @transform_1, window_bounds = array<i64: 32, 8192>}, {transform_indices = @transform_2, window_bounds = array<i64: 256, 1>}, {pipeline_mode = #tpu.pipeline_mode<synchronous>, transform_indices = @transform_3, window_bounds = array<i64: 1, 1>}]} {
    %eq3A = arith.constant 0 : i32
    %eq3A_0 = arith.cmpi eq, %arg0, %eq3A : i32
    %convert_element_type3A = arith.extui %eq3A_0 : i1 to i32
    %cond3A = arith.constant 0 : i32
    %cond3A_1 = arith.cmpi ne, %convert_element_type3A, %cond3A : i32
    scf.if %cond3A_1 {
      %get3A_59 = arith.constant 0 : index
      %get3A_60 = arith.constant 0 : index
      %get3A_61 = vector.load %arg2[%get3A_59, %get3A_60] : memref<32x8192xf32, #tpu.memory_space<vmem>>, vector<32x8192xf32>
      %mul3A_62 = arith.constant 5.000000e-01 : f32
      %mul3A_63 = vector.broadcast %mul3A_62 : f32 to vector<32x8192xf32>
      %mul3A_64 = arith.mulf %get3A_61, %mul3A_63 : vector<32x8192xf32>
      %mul3A_65 = arith.mulf %mul3A_64, %mul3A_64 : vector<32x8192xf32>
      %reduce_sum3A_66 = arith.constant dense<0.000000e+00> : vector<8192xf32>
      %reduce_sum3A_67 = vector.multi_reduction <add>, %mul3A_65, %reduce_sum3A_66 [0] : vector<32x8192xf32> to vector<8192xf32>
      %broadcast_in_dim3A_68 = vector.shape_cast %reduce_sum3A_67 : vector<8192xf32> to vector<1x8192xf32>
      %swap3A_69 = arith.constant 0 : index
      %swap3A_70 = arith.constant 0 : index
      %swap3A_71 = vector.load %arg5[%swap3A_69, %swap3A_70] : memref<1x8192xf32, #tpu.memory_space<vmem>>, vector<1x8192xf32>
      tpu.vector_store %arg5[%swap3A_69, %swap3A_70], %broadcast_in_dim3A_68 {strides = array<i32>} : memref<1x8192xf32, #tpu.memory_space<vmem>>, vector<1x8192xf32>,
      %iota3A = tpu.iota {dimensions = array<i32: 1>} : vector<256x4096xi32>
      %convert_element_type3A_72 = arith.sitofp %iota3A : vector<256x4096xi32> to vector<256x4096xf32>
      %swap3A_73 = arith.constant 0 : index
      %swap3A_74 = arith.constant 0 : index
      %swap3A_75 = vector.load %arg6[%swap3A_73, %swap3A_74] : memref<256x4096xf32, #tpu.memory_space<vmem>>, vector<256x4096xf32>
      tpu.vector_store %arg6[%swap3A_73, %swap3A_74], %convert_element_type3A_72 {strides = array<i32>} : memref<256x4096xf32, #tpu.memory_space<vmem>>, vector<256x4096xf32>,
    } else {
    }
    %get3A = arith.constant 0 : index
    %get3A_2 = arith.constant 0 : index
    %get3A_3 = vector.load %arg1[%get3A, %get3A_2] : memref<256x32xf32, #tpu.memory_space<vmem>>, vector<256x32xf32>
    %mul3A = arith.mulf %get3A_3, %get3A_3 : vector<256x32xf32>
    %reduce_sum3A = arith.constant dense<0.000000e+00> : vector<256xf32>
    %reduce_sum3A_4 = vector.multi_reduction <add>, %mul3A, %reduce_sum3A [1] : vector<256x32xf32> to vector<256xf32>
    %broadcast_in_dim3A = vector.shape_cast %reduce_sum3A_4 : vector<256xf32> to vector<256x1xf32>
    %get3A_5 = arith.constant 0 : index
    %get3A_6 = arith.constant 0 : index
    %get3A_7 = vector.load %arg2[%get3A_5, %get3A_6] : memref<32x8192xf32, #tpu.memory_space<vmem>>, vector<32x8192xf32>
    %dot_general3A = arith.constant dense<0.000000e+00> : vector<256x8192xf32>
    %dot_general3A_8 = tpu.matmul %get3A_3, %get3A_7, %dot_general3A {dimension_numbers = #tpu.dot_dimension_numbers<[1], [0], [0], [1], [0, 0, 1, 1], [], []>, transpose_lhs_hint = false} : vector<256x32xf32>, vector<32x8192xf32>, vector<256x8192xf32> -> vector<256x8192xf32>
    %get3A_9 = arith.constant 0 : index
    %get3A_10 = arith.constant 0 : index
    %get3A_11 = vector.load %arg5[%get3A_9, %get3A_10] : memref<1x8192xf32, #tpu.memory_space<vmem>>, vector<1x8192xf32>
    %add3A = vector.broadcast %broadcast_in_dim3A : vector<256x1xf32> to vector<256x8192xf32>
    %add3A_12 = vector.broadcast %get3A_11 : vector<1x8192xf32> to vector<256x8192xf32>
    %add3A_13 = arith.addf %add3A, %add3A_12 : vector<256x8192xf32>
    %sub3A = arith.subf %add3A_13, %dot_general3A_8 : vector<256x8192xf32>
    %slice3A = vector.extract_strided_slice %sub3A {offsets = [0, 0], sizes = [256, 4096], strides = [1, 1]} : vector<256x8192xf32> to vector<256x4096xf32>
    %slice3A_14 = vector.extract_strided_slice %sub3A {offsets = [0, 4096], sizes = [256, 4096], strides = [1, 1]} : vector<256x8192xf32> to vector<256x4096xf32>
    %get3A_15 = arith.constant 0 : index
    %get3A_16 = arith.constant 0 : index
    %get3A_17 = vector.load %arg6[%get3A_15, %get3A_16] : memref<256x4096xf32, #tpu.memory_space<vmem>>, vector<256x4096xf32>
    %reduce_min3A = arith.constant dense<0x7F800000> : vector<256xf32>
    %reduce_min3A_18 = vector.multi_reduction <minimumf>, %slice3A, %reduce_min3A [1] : vector<256x4096xf32> to vector<256xf32>
    %broadcast_in_dim3A_19 = vector.shape_cast %reduce_min3A_18 : vector<256xf32> to vector<256x1xf32>
    %reduce_min3A_20 = arith.constant dense<0x7F800000> : vector<256xf32>
    %reduce_min3A_21 = vector.multi_reduction <minimumf>, %slice3A_14, %reduce_min3A_20 [1] : vector<256x4096xf32> to vector<256xf32>
    %broadcast_in_dim3A_22 = vector.shape_cast %reduce_min3A_21 : vector<256xf32> to vector<256x1xf32>
    %convert_element_type3A_23 = arith.truncf %broadcast_in_dim3A_19 : vector<256x1xf32> to vector<256x1xbf16>
    %convert_element_type3A_24 = arith.extf %convert_element_type3A_23 : vector<256x1xbf16> to vector<256x1xf32>
    %lt3A = arith.cmpf olt, %broadcast_in_dim3A_22, %convert_element_type3A_24 : vector<256x1xf32>
    %broadcast_in_dim3A_25 = vector.shape_cast %lt3A : vector<256x1xi1> to vector<256x1xi1>
    %broadcast_in_dim3A_26 = vector.broadcast %broadcast_in_dim3A_25 : vector<256x1xi1> to vector<256x4096xi1>
    %select_n3A = arith.select %broadcast_in_dim3A_26, %slice3A_14, %slice3A : vector<256x4096xi1>, vector<256x4096xf32>
    %select_n3A_27 = arith.select %lt3A, %broadcast_in_dim3A_22, %broadcast_in_dim3A_19 : vector<256x1xi1>, vector<256x1xf32>
    %eq3A_28 = vector.broadcast %select_n3A_27 : vector<256x1xf32> to vector<256x4096xf32>
    %eq3A_29 = arith.cmpf oeq, %select_n3A, %eq3A_28 : vector<256x4096xf32>
    %jit3A = arith.constant 4.096000e+03 : f32
    %broadcast_in_dim3A_30 = vector.broadcast %jit3A : f32 to vector<256x4096xf32>
    %select_n3A_31 = arith.select %eq3A_29, %get3A_17, %broadcast_in_dim3A_30 : vector<256x4096xi1>, vector<256x4096xf32>
    %reduce_min3A_32 = arith.constant dense<0x7F800000> : vector<256xf32>
    %reduce_min3A_33 = vector.multi_reduction <minimumf>, %select_n3A_31, %reduce_min3A_32 [1] : vector<256x4096xf32> to vector<256xf32>
    %broadcast_in_dim3A_34 = vector.shape_cast %reduce_min3A_33 : vector<256xf32> to vector<256x1xf32>
    %jit3A_35 = arith.constant 4.096000e+03 : f32
    %jit3A_36 = arith.constant 0.000000e+00 : f32
    %broadcast_in_dim3A_37 = vector.broadcast %jit3A_35 : f32 to vector<256x1xf32>
    %broadcast_in_dim3A_38 = vector.broadcast %jit3A_36 : f32 to vector<256x1xf32>
    %select_n3A_39 = arith.select %lt3A, %broadcast_in_dim3A_37, %broadcast_in_dim3A_38 : vector<256x1xi1>, vector<256x1xf32>
    %add3A_40 = arith.addf %broadcast_in_dim3A_34, %select_n3A_39 : vector<256x1xf32>
    %convert_element_type3A_41 = arith.fptosi %add3A_40 : vector<256x1xf32> to vector<256x1xi32>
    %swap3A = arith.constant 0 : index
    %swap3A_42 = arith.constant 0 : index
    %swap3A_43 = vector.load %arg3[%swap3A, %swap3A_42] : memref<256x1xi32, #tpu.memory_space<vmem>>, vector<256x1xi32>
    tpu.vector_store %arg3[%swap3A, %swap3A_42], %convert_element_type3A_41 {strides = array<i32>} : memref<256x1xi32, #tpu.memory_space<vmem>>, vector<256x1xi32>,
    %reduce_sum3A_44 = vector.shape_cast %select_n3A_27 : vector<256x1xf32> to vector<1x256x1xf32>
    %reduce_sum3A_45 = arith.constant dense<0.000000e+00> : vector<1xf32>
    %reduce_sum3A_46 = vector.multi_reduction <add>, %reduce_sum3A_44, %reduce_sum3A_45 [1, 2] : vector<1x256x1xf32> to vector<1xf32>
    %reduce_sum3A_47 = vector.shape_cast %reduce_sum3A_46 : vector<1xf32> to vector<1x1x1xf32>
    %reduce_sum3A_48 = vector.extract %reduce_sum3A_47[0, 0, 0] : f32 from vector<1x1x1xf32>
    %broadcast_in_dim3A_49 = vector.broadcast %reduce_sum3A_48 : f32 to vector<1x1xf32>
    %eq3A_50 = arith.constant 0 : i32
    %eq3A_51 = arith.cmpi eq, %arg0, %eq3A_50 : i32
    %convert_element_type3A_52 = arith.extui %eq3A_51 : i1 to i32
    %cond3A_53 = arith.constant 0 : i32
    %cond3A_54 = arith.cmpi ne, %convert_element_type3A_52, %cond3A_53 : i32
    scf.if %cond3A_54 {
      %swap3A_59 = arith.constant 0 : index
      %swap3A_60 = arith.constant 0 : index
      %swap3A_61 = vector.load %arg4[%swap3A_59, %swap3A_60] : memref<1x1xf32, #tpu.memory_space<vmem>>, vector<1x1xf32>
      tpu.vector_store %arg4[%swap3A_59, %swap3A_60], %broadcast_in_dim3A_49 {strides = array<i32>} : memref<1x1xf32, #tpu.memory_space<vmem>>, vector<1x1xf32>,
    } else {
    }
    %gt3A = arith.constant 0 : i32
    %gt3A_55 = arith.cmpi sgt, %arg0, %gt3A : i32
    %convert_element_type3A_56 = arith.extui %gt3A_55 : i1 to i32
    %cond3A_57 = arith.constant 0 : i32
    %cond3A_58 = arith.cmpi ne, %convert_element_type3A_56, %cond3A_57 : i32
    scf.if %cond3A_58 {
      %get3A_59 = arith.constant 0 : index
      %get3A_60 = arith.constant 0 : index
      %get3A_61 = vector.load %arg4[%get3A_59, %get3A_60] : memref<1x1xf32, #tpu.memory_space<vmem>>, vector<1x1xf32>
      %add3A_62 = arith.addf %get3A_61, %broadcast_in_dim3A_49 : vector<1x1xf32>
      %swap3A_63 = arith.constant 0 : index
      %swap3A_64 = arith.constant 0 : index
      %swap3A_65 = vector.load %arg4[%swap3A_63, %swap3A_64] : memref<1x1xf32, #tpu.memory_space<vmem>>, vector<1x1xf32>
      tpu.vector_store %arg4[%swap3A_63, %swap3A_64], %add3A_62 {strides = array<i32>} : memref<1x1xf32, #tpu.memory_space<vmem>>, vector<1x1xf32>,
    } else {
    }
    return
  }
  func.func @transform_0(%arg0: i32) -> (i32, i32) {
    %c0_i32 = arith.constant 0 : i32
    %c0_i32_0 = arith.constant 0 : i32
    return %arg0, %c0_i32 : i32, i32
  }
  func.func @transform_1(%arg0: i32) -> (i32, i32) {
    %c0_i32 = arith.constant 0 : i32
    %c0_i32_0 = arith.constant 0 : i32
    %c0_i32_1 = arith.constant 0 : i32
    return %c0_i32, %c0_i32_0 : i32, i32
  }
  func.func @transform_2(%arg0: i32) -> (i32, i32) {
    %c0_i32 = arith.constant 0 : i32
    %c0_i32_0 = arith.constant 0 : i32
    return %arg0, %c0_i32 : i32, i32
  }
  func.func @transform_3(%arg0: i32) -> (i32, i32) {
    %c0_i32 = arith.constant 0 : i32
    %c0_i32_0 = arith.constant 0 : i32
    %c0_i32_1 = arith.constant 0 : i32
    return %c0_i32, %c0_i32_0 : i32, i32
  }
}

</mosaic_0001>

<sc_bundles>
// kernel: kernel.4.cloned.1.call-start
scs
__scs_entry_jumppad:
0x0: {  	(pc) =	sbr.rel $0x88, $3  }
0x1: {  	(tag) =	ssettag $0x0;
	lr =	simm.s32 $0x1  }
0x2: {  	[smem:$0x3F9F] =	sst lr;
	_ =	strace $0xD0000000  }
0x3: {  	_ = 	snop  }
0x4: {  	_ = 	snop  }
0x5: {  	_ = 	snop  }
0x6: {  	_ = 	snop  }
0x7: {  	_ = 	snop  }
__scs_overlays_trampoline_lowered:
0x8: {  	[smem:$0x3FAE] =	sst s0  }
0x9: {  	[smem:$0x3FAF] =	sst s1  }
0xa: {  	[smem:$0x3FB0] =	sst s2  }
0xb: {  	[smem:$0x3FB1] =	sst s3  }
0xc: {  	[smem:$0x3FB2] =	sst s4  }
0xd: {  	[smem:$0x3FB3] =	sst s5  }
0xe: {  	[smem:$0x3FB4] =	sst s6  }
0xf: {  	[smem:$0x3FB5] =	sst s7  }
0x10: {  	[smem:$0x3FB6] =	sst s8  }
0x11: {  	[smem:$0x3FB7] =	sst s9;
	s0 =	simm.s32 @!p0 $0x0  }
0x12: {  	s1 =	sld [smem:$0x3F9D];
	s0 =	simm.s32 @p0 $0x1  }
0x13: {  	[smem:$0x3FB8] =	sst s0;
	s0 =	simm.s32 @!p1 $0x0  }
0x14: {  	s2 =	sld [smem:$0x3F9C];
	s0 =	simm.s32 @p1 $0x1  }
0x15: {  	[smem:$0x3FB9] =	sst s0;
	s0 =	simm.s32 @!p2 $0x0  }
0x16: {  	s3 =	sld [smem:$0x3FDB];
	s0 =	simm.s32 @p2 $0x1  }
0x17: {  	s4 =	simm.s32 $0x1BF5;
	[smem:$0x3FBB] =	sst s0  }
0x18: {  	s0 =	sld [smem:$0x3F9E];
	_ =	swait.ge [sflag:s4], $0x0  }
0x19: {  	s7 =	sld [smem:$0x3F9F]  }
0x1a: {  	s8 =	sadd.s32 $0xFFFFE003, lr  }
0x1b: {  	s9 =	sadd.s32 $0xFFFFFEF7, lr;
	s5 =	simm.s32 $0xFFFFFFFF;
	p2 =	slt.u32 s8, $0xFFFFF086  }
0x1c: {  	p1 =	slt.u32 s9, $0xF7A;
	s5 =	simm.s32 @!p2 $0x0  }
0x1d: {  	s5 =	simm.s32 @p1 $0x1;
	p0 =	seq.s32 s7, s2  }
0x1e: {  	s7 =	smul.u32 @!p0 $0xF7A, s2;
	p2 =	seq.s32 @!p0 s5, $0x0  }
0x1f: {  	s9 =	smul.u32 $0xF7A, s1;
	s8 =	simm.s32 @!p0 $0x1BF5;
	p2 =	por !p2, p0  }
0x20: {  	[sflag:s8] =	ssyncset.s32 @!p0 $0xFFFFF086;
	s6 =	sadd.s32 @!p0 s3, s7;
	s7 =	simm.s32 @!p0 $0x108  }
0x21: {  	s3 =	sadd.s32 s3, s9;
	s6 =	sadd.s32 @!p0 $0x88, s6;
	s7 =	simm.s32 @p2 $0x1082  }
0x22: {  	[simem:s7], [sflag:s8] =	dma.local @!p0 [hbm:s6], $0xF7A  }
0x23: {  	s9 =	sor.u32 $0xD0000000, s2;
	s6 =	simm.s32 $0x108;
	_ =	swait.ge @!p0 [sflag:s8], $0x0  }
0x24: {  	s3 =	sadd.s32 $0x88, s3;
	s6 =	simm.s32 @!p1 $0x1082;
	[sflag:s4] =	ssyncset.s32 $0xFFFFF086  }
0x25: {  	[simem:s6], [sflag:s4] =	dma.local [hbm:s3], $0xF7A  }
0x26: {  	[smem:$0x3F9F] =	sst s1;
	(tag) =	ssettag s2;
	_ =	strace s9  }
0x27: {  	s1 =	sld [smem:$0x3FAF]  }
0x28: {  	s2 =	sld [smem:$0x3FB0]  }
0x29: {  	s4 =	sld [smem:$0x3FB2]  }
0x2a: {  	p0 =	seq.s32 s5, $0x0;
	s5 =	sld [smem:$0x3FB3]  }
0x2b: {  	s6 =	sld [smem:$0x3FB4]  }
0x2c: {  	s7 =	sld [smem:$0x3FB5]  }
0x2d: {  	s3 =	simm.s32 $0x108;
	s8 =	sld [smem:$0x3FB6]  }
0x2e: {  	s3 =	simm.s32 @!p0 $0x1082;
	s9 =	sld [smem:$0x3FB7]  }
0x2f: {  	lr =	sadd.s32 s0, s3;
	s0 =	sld [smem:$0x3FAE]  }
0x30: {  	s3 =	sld [smem:$0x3FB1]  }
0x31: {  	[smem:$0x3FBA] =	sst s10  }
0x32: {  	s10 =	sld [smem:$0x3FB8];
	_ =	sdelay $0x3  }
0x33: {  	p0 =	seq.s32 s10, $0x1;
	s10 =	sld [smem:$0x3FBA];
	_ =	sdelay $0x3  }
0x34: {  	[smem:$0x3FBA] =	sst s10  }
0x35: {  	s10 =	sld [smem:$0x3FB9];
	_ =	sdelay $0x3  }
0x36: {  	p1 =	seq.s32 s10, $0x1;
	s10 =	sld [smem:$0x3FBA];
	_ =	sdelay $0x3  }
0x37: {  	[smem:$0x3FBA] =	sst s10  }
0x38: {  	s10 =	sld [smem:$0x3FBB]  }
0x39: {  	_ = 	snop;
	(pc) =	sbr.ind lr, $3  }
0x3a: {  	_ = 	snop  }
0x3b: {  	_ = 	snop  }
0x3c: {  	p2 =	seq.s32 s10, $0x1;
	s10 =	sld [smem:$0x3FBA]  }
0x3d: {  	_ =	shalt  }
0x3e: {  	_ =	shalt  }
0x3f: {  	_ =	shalt  }
0x40: {  	_ =	shalt  }
0x41: {  	_ =	shalt  }
0x42: {  	_ =	shalt  }
0x43: {  	_ =	shalt  }
0x44: {  	_ =	shalt  }
0x45: {  	_ =	shalt  }
0x46: {  	_ =	shalt  }
0x47: {  	_ =	shalt  }
0x48: {  	_ =	shalt  }
0x49: {  	_ =	shalt  }
0x4a: {  	_ =	shalt  }
0x4b: {  	_ =	shalt  }
0x4c: {  	_ =	shalt  }
0x4d: {  	_ =	shalt  }
0x4e: {  	_ =	shalt  }
0x4f: {  	_ =	shalt  }
0x50: {  	_ =	shalt  }
0x51: {  	_ =	shalt  }
0x52: {  	_ =	shalt  }
0x53: {  	_ =	shalt  }
0x54: {  	_ =	shalt  }
0x55: {  	_ =	shalt  }
0x56: {  	_ =	shalt  }
0x57: {  	_ =	shalt  }
0x58: {  	_ =	shalt  }
0x59: {  	_ =	shalt  }
0x5a: {  	_ =	shalt  }
0x5b: {  	_ =	shalt  }
0x5c: {  	_ =	shalt  }
0x5d: {  	_ =	shalt  }
0x5e: {  	_ =	shalt  }
0x5f: {  	_ =	shalt  }
0x60: {  	_ =	shalt  }
0x61: {  	_ =	shalt  }
0x62: {  	_ =	shalt  }
0x63: {  	_ =	shalt  }
0x64: {  	_ =	shalt  }
0x65: {  	_ =	shalt  }
0x66: {  	_ =	shalt  }
0x67: {  	_ =	shalt  }
0x68: {  	_ =	shalt  }
0x69: {  	_ =	shalt  }
0x6a: {  	_ =	shalt  }
0x6b: {  	_ =	shalt  }
0x6c: {  	_ =	shalt  }
0x6d: {  	_ =	shalt  }
0x6e: {  	_ =	shalt  }
0x6f: {  	_ =	shalt  }
0x70: {  	_ =	shalt  }
0x71: {  	_ =	shalt  }
0x72: {  	_ =	shalt  }
0x73: {  	_ =	shalt  }
0x74: {  	_ =	shalt  }
0x75: {  	_ =	shalt  }
0x76: {  	_ =	shalt  }
0x77: {  	_ =	shalt  }
0x78: {  	_ =	shalt  }
0x79: {  	_ =	shalt  }
0x7a: {  	_ =	shalt  }
0x7b: {  	_ =	shalt  }
0x7c: {  	_ =	shalt  }
0x7d: {  	_ =	shalt  }
0x7e: {  	_ =	shalt  }
0x7f: {  	_ =	shalt  }
0x80: {  	_ =	shalt  }
0x81: {  	_ =	shalt  }
0x82: {  	_ =	shalt  }
0x83: {  	_ =	shalt  }
0x84: {  	_ =	shalt  }
0x85: {  	_ =	shalt  }
0x86: {  	_ =	shalt  }
0x87: {  	_ =	shalt  }
.Lfunc_end0:
.L_simem_size_0:
called_computation_lowered:
.L_overlay_start_0:
0x88: {  	s2 =	sld [smem:$0x3FD9]  }
0x89: {  	s3 =	sld [smem:$0x3FFE];
	_ =	sdelay $0x1  }
0x8a: {  	s1 =	srdreg.scid  }
0x8b: {  	s0 =	sand.u32 $0x1, s1  }
0x8c: {  	s14 =	sshll.u32 s0, $0xA;
	s2 =	sadd.s32 s3, s2  }
0x8d: {  	s2 =	sadd.s32 s2, s14  }
0x8e: {  	[smem:$0x3FC6] =	sst s2  }
0x8f: {  	_ = 	snop  }
0x90: {  	s2 =	sld [smem:$0x3FD0];
	_ =	sdelay $0x2  }
0x91: {  	s15 =	simm.s32 $0xA;
	s4 =	simm.s32 $0x10  }
0x92: {  	[smem:s4], [sflag:s15] =	dma.local [hbm:s2], $0x1  }
0x93: {  	_ =	swait.eq [sflag:s15], $0x1  }
0x94: {  	[sflag:s15] =	ssyncset.done $0x0  }
0x95: {  	[sflag:s15] =	ssyncadd.s32 $0xFFFFFFFF  }
0x96: {  	s16 =	sld [smem:$0x10];
	(tm) =	ssettm $0x1  }
0x97: {  	s17 =	sld [smem:$0x3FFB];
	_ =	sdelay $0x3  }
0x98: {  	_ =	strace s17  }
0x99: {  	s3 =	sld [smem:$0x3FFC];
	_ =	sdelay $0x3  }
0x9a: {  	_ =	strace s3  }
0x9b: {  	s3 =	sld [smem:$0x3FFD];
	_ =	sdelay $0x3  }
0x9c: {  	_ =	strace s3  }
0x9d: {  	_ =	strace $0x8FFFFFFF  }
0x9e: {  	s18 =	sld [smem:$0x3FDB];
	_ =	sdelay $0x1  }
0x9f: {  	s19 =	simm.s32 $_scs_section_size  }
0xa0: {  	s5 =	simm.s32 $_size__tile_overlayer_lowered;
	s6 =	simm.s32 $_tile_overlayer_lowered  }
0xa1: {  	s22 =	simm.s32 $0x1BFF;
	s21 =	sshll.u32 s6, $0x1;
	s3 =	sadd.s32 s19, s18  }
0xa2: {  	s7 =	simm.s32 $0x0;
	s20 =	sshll.u32 s5, $0x1;
	s5 =	sadd.s32 s21, s3  }
0xa3: {  	[timem:s7], [sflag:s22] =	dma.local [hbm:s5], s20  }
0xa4: {  	_ =	swait.ge [sflag:s22], s20  }
0xa5: {  	s4 =	ssub.s32 $0x0, s20;
	[sflag:s22] =	ssyncset.done $0x0  }
0xa6: {  	[sflag:s22] =	ssyncadd.s32 s4;
	_ =	sdelay $0x1  }
0xa7: {  	s23 =	simm.s32 $0x1B8B  }
0xa8: {  	_ =	swait.ge [sflag:s23], $0x1  }
0xa9: {  	[sflag:s23] =	ssyncset.done $0x0  }
0xaa: {  	s25 =	simm.s32 $0x1B8E;
	s24 =	sld [smem:$0x3FFE];
	[sflag:s23] =	ssyncadd.s32 $0xFFFFFFFF  }
0xab: {  	s26 =	simm.s32 $execute0_lowered;
	[smem:$0x3FD2] =	sst s25  }
0xac: {  	s5 =	sshll.u32 s26, $0x1;
	_ =	strace $0x80000046;
	[dreg:$0x1] =	wrdreg $0xFFFFFFFF  }
0xad: {  	s28 =	simm.s32 $_size_execute0_lowered;
	s3 =	sadd.s32 s3, s5;
	[dreg:$0x0] =	wrdreg $0x0  }
0xae: {  	s5 =	sshll.u32 s28, $0x1;
	[dreg:$0x2] =	wrdreg s3  }
0xaf: {  	[dreg:$0x3] =	wrdreg s5  }
0xb0: {  	[dreg:$0x4] =	wrdreg $0xC0  }
0xb1: {  	_ =	task [dreg:s7], $0x5FFFF  }
0xb2: {  	[dreg:$0x1] =	wrdreg $0xFFFFFFFF  }
0xb3: {  	[dreg:$0x0] =	wrdreg $0x60  }
0xb4: {  	[dreg:$0x2] =	wrdreg s16  }
0xb5: {  	[dreg:$0x3] =	wrdreg s24  }
0xb6: {  	[dreg:$0x4] =	wrdreg $0x9  }
0xb7: {  	_ =	task.clear_ibuf [dreg:s7], $0x5FFFF;
	_ =	strace $0x90000046  }
0xb8: {  	s29 =	simm.s32 $0x9;
	_ =	strace $0x80000048  }
0xb9: {  	_ =	swait.ge [sflag:s29], $0x1  }
0xba: {  	[sflag:s29] =	ssyncadd.s32 $0xFFFFFFFF  }
0xbb: {  	_ =	strace $0x90000048  }
0xbc: {  	_ =	sfence  }
0xbd: {  	s30 =	sld [smem:$0x0];
	_ =	sdelay $0x2  }
0xbe: {  	s31 =	sshll.u32 s1, $0xD;
	s1 =	sshrl.u32 s1, $0x2  }
0xbf: {  	s3 =	sand.u32 $0x4000, s31;
	s1 =	sadd.s32 s1, s30  }
0xc0: {  	s0 =	sor.u32 s3, s0;
	s1 =	sshll.u32 s1, $0x11  }
0xc1: {  	s0 =	sor.u32 s1, s0  }
0xc2: {  	s0 =	sadd.s32 $0x8F2B, s0  }
0xc3: {  	[sflag:s0] =	ssyncadd.remote.s32 $0x1  }
0xc4: {  	_ =	sfence.sel $0xFFFF  }
0xc5: {  	[dreg:$0x0] =	wrdreg $0xFFFFFFFF;
	(pc) =	sbr.abs _section_cstart, $3  }
0xc6: {  	[dreg:$0x1] =	wrdreg $0xFFFFFFFF  }
0xc7: {  	_ =	task.clear_ibuf [dreg:s7], $0x2FFFF;
	_ =	strace $0x9FFFFFFF  }
0xc8: {  	(tm) =	ssettm $0x7FFFFFFF  }
0xc9: {  	_ =	shalt  }
tec
execute0_lowered:
.L_overlay_start_1:
0x0: {  	(tag) =	ssettag $0x1  }
0x1: {  	s1 =	srdreg.scid  }
0x2: {  	s0 =	stileid.u32;
	s13 =	sand.u32 $0x1, s1  }
0x3: {  	s2 =	rddreg [dreg:$0x0];
	s31 =	sshll.u32 s0, $0xC;
	s3 =	sshll.u32 s13, $0xB  }
0x4: {  	s9 =	rddreg [dreg:$0x1];
	s10 =	sor.u32 s3, s31  }
0x5: {  	s1 =	rddreg [dreg:$0x2];
	s3 =	simm.s32 $0x0;
	s4 =	sshrl.u32 s10, $0x3  }
0x6: {  	[smem:$0x7FF] =	sst s3;
	s4 =	sadd.s32 s4, s9  }
0x7: {  	_ =	strace $0x80000047;
	s5 =	sadd.s32 $0x200, s4;
	s4 =	simm.s32 $0x2  }
0x8: {  	[tilespmem:s3], [sflag:$0x2] =	stream.linear.gather [hbm4b:s5+s3], $0x800, $0x38;
	[tilespmem:$0x10800] =	vst v63  }
0x9: {  	_ =	swait.ge [sflag:s4], $0x800  }
0xa: {  	s6 =	simm.s32 $0x200;
	[sflag:s4] =	ssyncset.done $0x0  }
0xb: {  	s7 =	simm.s32 $0x800;
	s8 =	simm.s32 $0x1;
	[sflag:s4] =	ssyncadd.s32 $0xFFFFF800  }
0xc: {  	[tilespmem:s7], [sflag:$0x1] =	stream.indirect.gather [hbm4b:s2+s6], $0x80, s3, s6, $0xb8;
	[tilespmem:$0x10800] =	vst v63  }
0xd: {  	s10 =	sshll.u32 s10, $0x4;
	_ =	swait.ge [sflag:s8], $0x10000  }
0xe: {  	s14 =	sadd.s32 s10, s9;
	[sflag:s8] =	ssyncset.done $0x0  }
0xf: {  	s9 =	sadd.s32 $0x200200, s14;
	[sflag:s8] =	ssyncadd.s32 $0xFFFF0000  }
0x10: {  	[hbm4b:s9+s3] =	stream.linear.scatter [tilespmem:s7], [sflag:$0x2], $0x10000, $0x38;
	[tilespmem:$0x10800] =	vst v63  }
0x11: {  	_ =	swait.ge [sflag:s4], $0x10000  }
0x12: {  	[sflag:s4] =	ssyncset.done $0x0  }
0x13: {  	[sflag:s4] =	ssyncadd.s32 $0xFFFF0000  }
0x14: {  	[tilespmem:s7], [sflag:$0x1] =	stream.indirect.gather [hbm4b:s2+s6], $0x80, s6, s6, $0xb8;
	[tilespmem:$0x10800] =	vst v63  }
0x15: {  	_ =	swait.ge [sflag:s8], $0x10000  }
0x16: {  	[sflag:s8] =	ssyncset.done $0x0  }
0x17: {  	s10 =	sadd.s32 $0x202200, s14;
	[sflag:s8] =	ssyncadd.s32 $0xFFFF0000  }
0x18: {  	[hbm4b:s10+s3] =	stream.linear.scatter [tilespmem:s7], [sflag:$0x2], $0x10000, $0x38;
	[tilespmem:$0x10800] =	vst v63  }
0x19: {  	_ =	swait.ge [sflag:s4], $0x10000  }
0x1a: {  	[sflag:s4] =	ssyncset.done $0x0  }
0x1b: {  	s11 =	simm.s32 $0x400;
	[sflag:s4] =	ssyncadd.s32 $0xFFFF0000  }
0x1c: {  	[tilespmem:s7], [sflag:$0x1] =	stream.indirect.gather [hbm4b:s2+s6], $0x80, s11, s6, $0xb8;
	[tilespmem:$0x10800] =	vst v63  }
0x1d: {  	_ =	swait.ge [sflag:s8], $0x10000  }
0x1e: {  	[sflag:s8] =	ssyncset.done $0x0  }
0x1f: {  	s15 =	ssub.s32 $0x2, s13;
	s12 =	sadd.s32 $0x204200, s14;
	[sflag:s8] =	ssyncadd.s32 $0xFFFF0000  }
0x20: {  	[hbm4b:s12+s3] =	stream.linear.scatter [tilespmem:s7], [sflag:$0x2], $0x10000, $0x38;
	[tilespmem:$0x10800] =	vst v63  }
0x21: {  	s16 =	sshrl.u32 s15, $0x1;
	_ =	swait.ge [sflag:s4], $0x10000  }
0x22: {  	s15 =	ssub.s32 s15, s16;
	[sflag:s4] =	ssyncset.done $0x0  }
0x23: {  	s13 =	simm.s32 $0x600;
	s15 =	smax.u32 s15, $0x1;
	[sflag:s4] =	ssyncadd.s32 $0xFFFF0000  }
0x24: {  	[tilespmem:s7], [sflag:$0x1] =	stream.indirect.gather [hbm4b:s2+s6], $0x80, s13, s6, $0xb8;
	[tilespmem:$0x10800] =	vst v63  }
0x25: {  	p0 =	sne.s32 s15, $0x1;
	_ =	swait.ge [sflag:s8], $0x10000  }
.Ltmp0:
0x26: {  	[sflag:s8] =	ssyncset.done $0x0;
	(pc) =	sbr.rel @!p0 .LBB2_2-.Ltmp0, $4  }
0x27: {  	s14 =	sadd.s32 $0x206200, s14;
	[sflag:s8] =	ssyncadd.s32 $0xFFFF0000  }
0x28: {  	[hbm4b:s14+s3] =	stream.linear.scatter [tilespmem:s7], [sflag:$0x2], $0x10000, $0x38;
	[tilespmem:$0x10800] =	vst v63  }
0x29: {  	_ =	swait.ge [sflag:s4], $0x10000  }
0x2a: {  	s15 =	sadd.s32 $0xFFFFFFFF, s15;
	[sflag:s4] =	ssyncset.done $0x0  }
.LBB2_1:
0x2b: {  	p0 =	sne.s32 s15, $0x1;
	s15 =	sadd.s32 $0xFFFFFFFF, s15;
	[sflag:s4] =	ssyncadd.s32 $0xFFFF0000  }
0x2c: {  	[tilespmem:s3], [sflag:$0x2] =	stream.linear.gather [hbm4b:s5+s3], $0x800, $0x38;
	[tilespmem:$0x10800] =	vst v63  }
0x2d: {  	_ =	swait.ge [sflag:s4], $0x800  }
0x2e: {  	[sflag:s4] =	ssyncset.done $0x0  }
0x2f: {  	[sflag:s4] =	ssyncadd.s32 $0xFFFFF800  }
0x30: {  	[tilespmem:s7], [sflag:$0x1] =	stream.indirect.gather [hbm4b:s2+s6], $0x80, s3, s6, $0xb8;
	[tilespmem:$0x10800] =	vst v63  }
0x31: {  	_ =	swait.ge [sflag:s8], $0x10000  }
0x32: {  	[sflag:s8] =	ssyncset.done $0x0  }
0x33: {  	[sflag:s8] =	ssyncadd.s32 $0xFFFF0000  }
0x34: {  	[hbm4b:s9+s3] =	stream.linear.scatter [tilespmem:s7], [sflag:$0x2], $0x10000, $0x38;
	[tilespmem:$0x10800] =	vst v63  }
0x35: {  	_ =	swait.ge [sflag:s4], $0x10000  }
0x36: {  	[sflag:s4] =	ssyncset.done $0x0  }
0x37: {  	[sflag:s4] =	ssyncadd.s32 $0xFFFF0000  }
0x38: {  	[tilespmem:s7], [sflag:$0x1] =	stream.indirect.gather [hbm4b:s2+s6], $0x80, s6, s6, $0xb8;
	[tilespmem:$0x10800] =	vst v63  }
0x39: {  	_ =	swait.ge [sflag:s8], $0x10000  }
0x3a: {  	[sflag:s8] =	ssyncset.done $0x0  }
0x3b: {  	[sflag:s8] =	ssyncadd.s32 $0xFFFF0000  }
0x3c: {  	[hbm4b:s10+s3] =	stream.linear.scatter [tilespmem:s7], [sflag:$0x2], $0x10000, $0x38;
	[tilespmem:$0x10800] =	vst v63  }
0x3d: {  	_ =	swait.ge [sflag:s4], $0x10000  }
0x3e: {  	[sflag:s4] =	ssyncset.done $0x0  }
0x3f: {  	[sflag:s4] =	ssyncadd.s32 $0xFFFF0000  }
0x40: {  	[tilespmem:s7], [sflag:$0x1] =	stream.indirect.gather [hbm4b:s2+s6], $0x80, s11, s6, $0xb8;
	[tilespmem:$0x10800] =	vst v63  }
0x41: {  	_ =	swait.ge [sflag:s8], $0x10000  }
0x42: {  	[sflag:s8] =	ssyncset.done $0x0  }
0x43: {  	[sflag:s8] =	ssyncadd.s32 $0xFFFF0000  }
0x44: {  	[hbm4b:s12+s3] =	stream.linear.scatter [tilespmem:s7], [sflag:$0x2], $0x10000, $0x38;
	[tilespmem:$0x10800] =	vst v63  }
0x45: {  	_ =	swait.ge [sflag:s4], $0x10000  }
0x46: {  	[sflag:s4] =	ssyncset.done $0x0  }
0x47: {  	[sflag:s4] =	ssyncadd.s32 $0xFFFF0000  }
0x48: {  	[tilespmem:s7], [sflag:$0x1] =	stream.indirect.gather [hbm4b:s2+s6], $0x80, s13, s6, $0xb8;
	[tilespmem:$0x10800] =	vst v63  }
0x49: {  	_ =	swait.ge [sflag:s8], $0x10000  }
.Ltmp1:
0x4a: {  	[sflag:s8] =	ssyncset.done $0x0;
	(pc) =	sbr.rel @p0 .LBB2_1-.Ltmp1, $4  }
0x4b: {  	[sflag:s8] =	ssyncadd.s32 $0xFFFF0000  }
0x4c: {  	[hbm4b:s14+s3] =	stream.linear.scatter [tilespmem:s7], [sflag:$0x2], $0x10000, $0x38;
	[tilespmem:$0x10800] =	vst v63  }
0x4d: {  	_ =	swait.ge [sflag:s4], $0x10000  }
0x4e: {  	[sflag:s4] =	ssyncset.done $0x0  }
.LBB2_2:
0x4f: {  	[sflag:s4] =	ssyncadd.s32 $0xFFFF0000  }
0x50: {  	_ =	sfence.sel $0x180000  }
0x51: {  	[bflag:$0x0] =	sbarrier.arrive $0xFFFF  }
0x52: {  	p0 =	sne.s32 s0, $0x0;
	_ =	strace $0x90000047  }
0x53: {  	s0 =	sadd.s32 @!p0 $0x100000, s1;
	[bflag:$0x2] =	sbarrier.arrive $0xFFFF  }
0x54: {  	[sflag:s0] =	ssyncadd.tile.s32 @!p0 $0x1;
	_ =	shalt  }
.Lfunc_end2:
_tile_overlayer_lowered:
.L_overlay_start_2:
0x55: {  	(tag) =	ssettag $0x2  }
0x56: {  	s0 =	rddreg [dreg:$0x0];
	s2 =	stileid.u32  }
0x57: {  	s1 =	rddreg [dreg:$0x1];
	p0 =	sne.s32 s2, $0x0  }
0x58: {  	s3 =	rddreg [dreg:$0x2];
	[bflag:$0x3] =	sbarrier.arrive $0xFFFF;
	s2 =	simm.s32 @!p0 $0x1C02  }
0x59: {  	[timem:s3], [sflag:s2] =	dma.local @!p0 [hbm:s0], s1  }
0x5a: {  	s0 =	simm.s32 @!p0 $0x2  }
0x5b: {  	_ =	swait.ge @!p0 [sflag:s0], s1  }
0x5c: {  	s1 =	ssub.s32 @!p0 $0x0, s1;
	[sflag:s0] =	ssyncset.done @!p0 $0x0  }
0x5d: {  	[sflag:s0] =	ssyncadd.s32 @!p0 s1  }
0x5e: {  	[bflag:$0x3] =	sbarrier.arrive $0xFFFF  }
0x5f: {  	_ =	shalt  }

</sc_bundles>
